<compile_context>
chip_gen: v7x
topology: tpu7x:2x2x1
jax: 0.10.2.dev20260603
libtpu: 0.0.44.dev20260713+nightly
codegen_flags: <defaults>
</compile_context>

<pallas_src>
import jax
import jax.numpy as jnp
from jax import lax
from jax.experimental import pallas as pl
from jax.experimental.pallas import tpu as pltpu
from jax.experimental.pallas import tpu_sc as plsc

N = 32768
NS = 16
L = 16
CHUNK = N // NS
SUB = CHUNK // L

_mesh = plsc.VectorSubcoreMesh(
    core_axis_name="c", subcore_axis_name="s", num_cores=1, num_subcores=NS
)


def _sc_cumsum_body(x_hbm, out_hbm, x_v, tot_v, all_v, shared):
    sid = lax.axis_index("s")
    base = sid * CHUNK

    pltpu.sync_copy(x_hbm.at[pl.ds(base, CHUNK)], x_v)

    idx0 = lax.broadcasted_iota(jnp.int32, (L,), 0) * SUB

    @plsc.parallel_loop(0, SUB, unroll=8, carry=jnp.zeros((L,), jnp.float32))
    def lane_tot(j, acc):
        return acc + plsc.load_gather(x_v, [idx0 + j])

    total = jnp.sum(lane_tot)

    tot_v[...] = jnp.zeros((L,), jnp.float32) + total
    pltpu.sync_copy(tot_v, shared.at[pl.ds(sid * L, L)])
    plsc.subcore_barrier()
    pltpu.sync_copy(shared, all_v)

    off = jnp.zeros((L,), jnp.float32)
    for k in range(NS):
        row = all_v[pl.ds(k * L, L)]
        off = off + jnp.where(k < sid, row, jnp.zeros((L,), jnp.float32))

    lane_off = off + plsc.cumsum(lane_tot) - lane_tot

    @plsc.parallel_loop(0, SUB, unroll=8, carry=lane_off)
    def _run(j, running):
        running = running + plsc.load_gather(x_v, [idx0 + j])
        plsc.store_scatter(x_v, [idx0 + j], running)
        return running

    pltpu.sync_copy(x_v, out_hbm.at[pl.ds(base, CHUNK)])


_sc_cumsum = pl.kernel(
    _sc_cumsum_body,
    out_type=jax.ShapeDtypeStruct((N,), jnp.float32),
    mesh=_mesh,
    compiler_params=pltpu.CompilerParams(needs_layout_passes=False),
    scratch_types=[
        pltpu.VMEM((CHUNK,), jnp.float32),
        pltpu.VMEM((L,), jnp.float32),
        pltpu.VMEM((NS * L,), jnp.float32),
        pltpu.VMEM_SHARED((NS * L,), jnp.float32),
    ],
)


def kernel(mask_i):
    return _sc_cumsum(mask_i)

# --- scband reference (transcript-rebuilt; emitter-appended) ---
"""Pipeline reference for scband-op2-cumsum-4269197492493 (READ-ONLY COPY).

The authoritative reference and input builder live on the scoring server;
editing this copy changes nothing except your own understanding.
"""

import jax, jax.numpy as jnp
import numpy as np

def setup_inputs(seed: int = 0) -> dict:
    key = jax.random.key(seed)
    mask_i = jax.random.uniform(key, (32768,), dtype=jnp.float32)
    return {"mask_i": mask_i}

def reference(mask_i):
    return jnp.cumsum(mask_i, axis=0)

if __name__ == "__main__":
    import jax
    _d = setup_inputs()
    print(jax.jit(kernel)(*tuple(_d.values())))

</pallas_src>

<mosaic_0001>
#map = affine_map<(d0, d1) -> (0)>
module attributes {stable_mosaic.version = 14 : i64} {
  func.func @_sc_cumsum_body(%arg0: i32, %arg1: i32, %arg2: memref<32768xf32, #tpu.memory_space<hbm>>, %arg3: memref<32768xf32, #tpu.memory_space<hbm>>, %arg4: memref<2048xf32, #tpu.memory_space<vmem>>, %arg5: memref<16xf32, #tpu.memory_space<vmem>>, %arg6: memref<256xf32, #tpu.memory_space<vmem>>, %arg7: memref<256xf32, #tpu.memory_space<vmem_shared>>) attributes {dimension_semantics = [#tpu.dimension_semantics<core_parallel>, #tpu.dimension_semantics<subcore_parallel>], iteration_bounds = array<i64: 1, 16>, scalar_prefetch = 0 : i64, scratch_operands = 4 : i64, tpu.core_type = #tpu.core_type<sc_vector_subcore>, window_params = [{transform_indices = #map}, {transform_indices = #map}]} {
    %mul3A = arith.constant 2048 : i32
    %mul3A_0 = arith.muli %arg1, %mul3A : i32
    "tpu.region"() ({
      %run_scoped3A = tpu.sem_alloc : memref<!tpu.dma_semaphore, #tpu.memory_space<semaphore_mem>>
      %dma_start3A = tpu.memref_slice %arg2[%mul3A_0] : memref<32768xf32, #tpu.memory_space<hbm>> -> memref<2048xf32, #tpu.memory_space<hbm>>
      %dma_start3A_151 = tpu.memref_slice %arg2[%mul3A_0] : memref<32768xf32, #tpu.memory_space<hbm>> -> memref<2048xf32, #tpu.memory_space<hbm>>
      tpu.enqueue_dma source(%dma_start3A_151 : memref<2048xf32, #tpu.memory_space<hbm>>) target(%arg4 : memref<2048xf32, #tpu.memory_space<vmem>>) target_semaphore(%run_scoped3A : memref<!tpu.dma_semaphore, #tpu.memory_space<semaphore_mem>>)
      %dma_wait3A = tpu.memref_slice %arg2[%mul3A_0] : memref<32768xf32, #tpu.memory_space<hbm>> -> memref<2048xf32, #tpu.memory_space<hbm>>
      %dma_wait3A_152 = tpu.memref_slice %arg2[%mul3A_0] : memref<32768xf32, #tpu.memory_space<hbm>> -> memref<2048xf32, #tpu.memory_space<hbm>>
      tpu.wait_dma2 semaphore(%run_scoped3A : memref<!tpu.dma_semaphore, #tpu.memory_space<semaphore_mem>>) src(%dma_wait3A_152 : memref<2048xf32, #tpu.memory_space<hbm>>) dst(%arg4 : memref<2048xf32, #tpu.memory_space<vmem>>)
      tpu.yield
    }) : () -> ()
    %iota3A = tpu.iota {dimensions = array<i32: 0>} : vector<16xi32>
    %mul3A_1 = arith.constant 128 : i32
    %mul3A_2 = vector.broadcast %mul3A_1 : i32 to vector<16xi32>
    %mul3A_3 = arith.muli %iota3A, %mul3A_2 : vector<16xi32>
    %broadcast_in_dim3A = arith.constant 0.000000e+00 : f32
    %broadcast_in_dim3A_4 = vector.broadcast %broadcast_in_dim3A : f32 to vector<16xf32>
    %parallel_loop3A = arith.constant 0 : i32
    %parallel_loop3A_5 = arith.constant 128 : i32
    %parallel_loop3A_6 = arith.constant 1 : i32
    %parallel_loop3A_7 = scf.for %parallel_loop3A_151 = %parallel_loop3A to %parallel_loop3A_5 step %parallel_loop3A_6 iter_args(%parallel_loop3A_152 = %broadcast_in_dim3A_4) -> (vector<16xf32>)  : i32 {
      %parallel_loop3A_153 = vector.broadcast %parallel_loop3A_151 : i32 to vector<16xi32>
      %parallel_loop3A_154 = arith.addi %mul3A_3, %parallel_loop3A_153 : vector<16xi32>
      %parallel_loop3A_155 = tpu.vector_load_idx %arg4[%parallel_loop3A_154] : memref<2048xf32, #tpu.memory_space<vmem>>[vector<16xi32>], vector<16xf32>,
      %parallel_loop3A_156 = arith.addf %parallel_loop3A_152, %parallel_loop3A_155 : vector<16xf32>
      scf.yield %parallel_loop3A_156 : vector<16xf32>
    } {sc.loop_unroll_factor = 8 : i64, sc.parallel_access}
    %reduce_sum3A = arith.constant true
    %reduce_sum3A_8 = vector.broadcast %reduce_sum3A : i1 to vector<16xi1>
    %reduce_sum3A_9 = tpu.scan <sum>, %parallel_loop3A_7 masked %reduce_sum3A_8 : vector<16xf32>, vector<16xi1> -> vector<16xf32>
    %reduce_sum3A_10 = vector.extract %reduce_sum3A_9[15] : f32 from vector<16xf32>
    %broadcast_in_dim3A_11 = arith.constant 0.000000e+00 : f32
    %broadcast_in_dim3A_12 = vector.broadcast %broadcast_in_dim3A_11 : f32 to vector<16xf32>
    %add3A = vector.broadcast %reduce_sum3A_10 : f32 to vector<16xf32>
    %add3A_13 = arith.addf %broadcast_in_dim3A_12, %add3A : vector<16xf32>
    %swap3A = arith.constant 0 : index
    %swap3A_14 = tpu.vector_load %arg5[%swap3A] {strides = array<i32>} : memref<16xf32, #tpu.memory_space<vmem>>, vector<16xf32>,
    tpu.vector_store %arg5[%swap3A], %add3A_13 {strides = array<i32>} : memref<16xf32, #tpu.memory_space<vmem>>, vector<16xf32>,
    %mul3A_15 = arith.constant 16 : i32
    %mul3A_16 = arith.muli %arg1, %mul3A_15 : i32
    "tpu.region"() ({
      %run_scoped3A = tpu.sem_alloc : memref<!tpu.dma_semaphore, #tpu.memory_space<semaphore_mem>>
      %dma_start3A = tpu.memref_slice %arg7[%mul3A_16] : memref<256xf32, #tpu.memory_space<vmem_shared>> -> memref<16xf32, #tpu.memory_space<vmem_shared>>
      %dma_start3A_151 = tpu.memref_slice %arg7[%mul3A_16] : memref<256xf32, #tpu.memory_space<vmem_shared>> -> memref<16xf32, #tpu.memory_space<vmem_shared>>
      tpu.enqueue_dma source(%arg5 : memref<16xf32, #tpu.memory_space<vmem>>) target(%dma_start3A_151 : memref<16xf32, #tpu.memory_space<vmem_shared>>) target_semaphore(%run_scoped3A : memref<!tpu.dma_semaphore, #tpu.memory_space<semaphore_mem>>)
      %dma_wait3A = tpu.memref_slice %arg7[%mul3A_16] : memref<256xf32, #tpu.memory_space<vmem_shared>> -> memref<16xf32, #tpu.memory_space<vmem_shared>>
      %dma_wait3A_152 = tpu.memref_slice %arg7[%mul3A_16] : memref<256xf32, #tpu.memory_space<vmem_shared>> -> memref<16xf32, #tpu.memory_space<vmem_shared>>
      tpu.wait_dma2 semaphore(%run_scoped3A : memref<!tpu.dma_semaphore, #tpu.memory_space<semaphore_mem>>) src(%arg5 : memref<16xf32, #tpu.memory_space<vmem>>) dst(%dma_wait3A_152 : memref<16xf32, #tpu.memory_space<vmem_shared>>)
      tpu.yield
    }) : () -> ()
    %barrier3A = arith.constant 0 : index
    tpu.barrier barrier_id(%barrier3A)
    "tpu.region"() ({
      %run_scoped3A = tpu.sem_alloc : memref<!tpu.dma_semaphore, #tpu.memory_space<semaphore_mem>>
      tpu.enqueue_dma source(%arg7 : memref<256xf32, #tpu.memory_space<vmem_shared>>) target(%arg6 : memref<256xf32, #tpu.memory_space<vmem>>) target_semaphore(%run_scoped3A : memref<!tpu.dma_semaphore, #tpu.memory_space<semaphore_mem>>)
      tpu.wait_dma2 semaphore(%run_scoped3A : memref<!tpu.dma_semaphore, #tpu.memory_space<semaphore_mem>>) src(%arg7 : memref<256xf32, #tpu.memory_space<vmem_shared>>) dst(%arg6 : memref<256xf32, #tpu.memory_space<vmem>>)
      tpu.yield
    }) : () -> ()
    %broadcast_in_dim3A_17 = arith.constant 0.000000e+00 : f32
    %broadcast_in_dim3A_18 = vector.broadcast %broadcast_in_dim3A_17 : f32 to vector<16xf32>
    %get3A = arith.constant 0 : index
    %get3A_19 = tpu.vector_load %arg6[%get3A] {strides = array<i32>} : memref<256xf32, #tpu.memory_space<vmem>>, vector<16xf32>,
    %gt3A = arith.constant 0 : i32
    %gt3A_20 = arith.cmpi sgt, %arg1, %gt3A : i32
    %broadcast_in_dim3A_21 = arith.constant 0.000000e+00 : f32
    %broadcast_in_dim3A_22 = vector.broadcast %broadcast_in_dim3A_21 : f32 to vector<16xf32>
    %select_n3A = arith.select %gt3A_20, %get3A_19, %broadcast_in_dim3A_22 : vector<16xf32>
    %add3A_23 = arith.addf %broadcast_in_dim3A_18, %select_n3A : vector<16xf32>
    %get3A_24 = arith.constant 16 : index
    %get3A_25 = tpu.vector_load %arg6[%get3A_24] {strides = array<i32>} : memref<256xf32, #tpu.memory_space<vmem>>, vector<16xf32>,
    %gt3A_26 = arith.constant 1 : i32
    %gt3A_27 = arith.cmpi sgt, %arg1, %gt3A_26 : i32
    %broadcast_in_dim3A_28 = arith.constant 0.000000e+00 : f32
    %broadcast_in_dim3A_29 = vector.broadcast %broadcast_in_dim3A_28 : f32 to vector<16xf32>
    %select_n3A_30 = arith.select %gt3A_27, %get3A_25, %broadcast_in_dim3A_29 : vector<16xf32>
    %add3A_31 = arith.addf %add3A_23, %select_n3A_30 : vector<16xf32>
    %get3A_32 = arith.constant 32 : index
    %get3A_33 = tpu.vector_load %arg6[%get3A_32] {strides = array<i32>} : memref<256xf32, #tpu.memory_space<vmem>>, vector<16xf32>,
    %gt3A_34 = arith.constant 2 : i32
    %gt3A_35 = arith.cmpi sgt, %arg1, %gt3A_34 : i32
    %broadcast_in_dim3A_36 = arith.constant 0.000000e+00 : f32
    %broadcast_in_dim3A_37 = vector.broadcast %broadcast_in_dim3A_36 : f32 to vector<16xf32>
    %select_n3A_38 = arith.select %gt3A_35, %get3A_33, %broadcast_in_dim3A_37 : vector<16xf32>
    %add3A_39 = arith.addf %add3A_31, %select_n3A_38 : vector<16xf32>
    %get3A_40 = arith.constant 48 : index
    %get3A_41 = tpu.vector_load %arg6[%get3A_40] {strides = array<i32>} : memref<256xf32, #tpu.memory_space<vmem>>, vector<16xf32>,
    %gt3A_42 = arith.constant 3 : i32
    %gt3A_43 = arith.cmpi sgt, %arg1, %gt3A_42 : i32
    %broadcast_in_dim3A_44 = arith.constant 0.000000e+00 : f32
    %broadcast_in_dim3A_45 = vector.broadcast %broadcast_in_dim3A_44 : f32 to vector<16xf32>
    %select_n3A_46 = arith.select %gt3A_43, %get3A_41, %broadcast_in_dim3A_45 : vector<16xf32>
    %add3A_47 = arith.addf %add3A_39, %select_n3A_46 : vector<16xf32>
    %get3A_48 = arith.constant 64 : index
    %get3A_49 = tpu.vector_load %arg6[%get3A_48] {strides = array<i32>} : memref<256xf32, #tpu.memory_space<vmem>>, vector<16xf32>,
    %gt3A_50 = arith.constant 4 : i32
    %gt3A_51 = arith.cmpi sgt, %arg1, %gt3A_50 : i32
    %broadcast_in_dim3A_52 = arith.constant 0.000000e+00 : f32
    %broadcast_in_dim3A_53 = vector.broadcast %broadcast_in_dim3A_52 : f32 to vector<16xf32>
    %select_n3A_54 = arith.select %gt3A_51, %get3A_49, %broadcast_in_dim3A_53 : vector<16xf32>
    %add3A_55 = arith.addf %add3A_47, %select_n3A_54 : vector<16xf32>
    %get3A_56 = arith.constant 80 : index
    %get3A_57 = tpu.vector_load %arg6[%get3A_56] {strides = array<i32>} : memref<256xf32, #tpu.memory_space<vmem>>, vector<16xf32>,
    %gt3A_58 = arith.constant 5 : i32
    %gt3A_59 = arith.cmpi sgt, %arg1, %gt3A_58 : i32
    %broadcast_in_dim3A_60 = arith.constant 0.000000e+00 : f32
    %broadcast_in_dim3A_61 = vector.broadcast %broadcast_in_dim3A_60 : f32 to vector<16xf32>
    %select_n3A_62 = arith.select %gt3A_59, %get3A_57, %broadcast_in_dim3A_61 : vector<16xf32>
    %add3A_63 = arith.addf %add3A_55, %select_n3A_62 : vector<16xf32>
    %get3A_64 = arith.constant 96 : index
    %get3A_65 = tpu.vector_load %arg6[%get3A_64] {strides = array<i32>} : memref<256xf32, #tpu.memory_space<vmem>>, vector<16xf32>,
    %gt3A_66 = arith.constant 6 : i32
    %gt3A_67 = arith.cmpi sgt, %arg1, %gt3A_66 : i32
    %broadcast_in_dim3A_68 = arith.constant 0.000000e+00 : f32
    %broadcast_in_dim3A_69 = vector.broadcast %broadcast_in_dim3A_68 : f32 to vector<16xf32>
    %select_n3A_70 = arith.select %gt3A_67, %get3A_65, %broadcast_in_dim3A_69 : vector<16xf32>
    %add3A_71 = arith.addf %add3A_63, %select_n3A_70 : vector<16xf32>
    %get3A_72 = arith.constant 112 : index
    %get3A_73 = tpu.vector_load %arg6[%get3A_72] {strides = array<i32>} : memref<256xf32, #tpu.memory_space<vmem>>, vector<16xf32>,
    %gt3A_74 = arith.constant 7 : i32
    %gt3A_75 = arith.cmpi sgt, %arg1, %gt3A_74 : i32
    %broadcast_in_dim3A_76 = arith.constant 0.000000e+00 : f32
    %broadcast_in_dim3A_77 = vector.broadcast %broadcast_in_dim3A_76 : f32 to vector<16xf32>
    %select_n3A_78 = arith.select %gt3A_75, %get3A_73, %broadcast_in_dim3A_77 : vector<16xf32>
    %add3A_79 = arith.addf %add3A_71, %select_n3A_78 : vector<16xf32>
    %get3A_80 = arith.constant 128 : index
    %get3A_81 = tpu.vector_load %arg6[%get3A_80] {strides = array<i32>} : memref<256xf32, #tpu.memory_space<vmem>>, vector<16xf32>,
    %gt3A_82 = arith.constant 8 : i32
    %gt3A_83 = arith.cmpi sgt, %arg1, %gt3A_82 : i32
    %broadcast_in_dim3A_84 = arith.constant 0.000000e+00 : f32
    %broadcast_in_dim3A_85 = vector.broadcast %broadcast_in_dim3A_84 : f32 to vector<16xf32>
    %select_n3A_86 = arith.select %gt3A_83, %get3A_81, %broadcast_in_dim3A_85 : vector<16xf32>
    %add3A_87 = arith.addf %add3A_79, %select_n3A_86 : vector<16xf32>
    %get3A_88 = arith.constant 144 : index
    %get3A_89 = tpu.vector_load %arg6[%get3A_88] {strides = array<i32>} : memref<256xf32, #tpu.memory_space<vmem>>, vector<16xf32>,
    %gt3A_90 = arith.constant 9 : i32
    %gt3A_91 = arith.cmpi sgt, %arg1, %gt3A_90 : i32
    %broadcast_in_dim3A_92 = arith.constant 0.000000e+00 : f32
    %broadcast_in_dim3A_93 = vector.broadcast %broadcast_in_dim3A_92 : f32 to vector<16xf32>
    %select_n3A_94 = arith.select %gt3A_91, %get3A_89, %broadcast_in_dim3A_93 : vector<16xf32>
    %add3A_95 = arith.addf %add3A_87, %select_n3A_94 : vector<16xf32>
    %get3A_96 = arith.constant 160 : index
    %get3A_97 = tpu.vector_load %arg6[%get3A_96] {strides = array<i32>} : memref<256xf32, #tpu.memory_space<vmem>>, vector<16xf32>,
    %gt3A_98 = arith.constant 10 : i32
    %gt3A_99 = arith.cmpi sgt, %arg1, %gt3A_98 : i32
    %broadcast_in_dim3A_100 = arith.constant 0.000000e+00 : f32
    %broadcast_in_dim3A_101 = vector.broadcast %broadcast_in_dim3A_100 : f32 to vector<16xf32>
    %select_n3A_102 = arith.select %gt3A_99, %get3A_97, %broadcast_in_dim3A_101 : vector<16xf32>
    %add3A_103 = arith.addf %add3A_95, %select_n3A_102 : vector<16xf32>
    %get3A_104 = arith.constant 176 : index
    %get3A_105 = tpu.vector_load %arg6[%get3A_104] {strides = array<i32>} : memref<256xf32, #tpu.memory_space<vmem>>, vector<16xf32>,
    %gt3A_106 = arith.constant 11 : i32
    %gt3A_107 = arith.cmpi sgt, %arg1, %gt3A_106 : i32
    %broadcast_in_dim3A_108 = arith.constant 0.000000e+00 : f32
    %broadcast_in_dim3A_109 = vector.broadcast %broadcast_in_dim3A_108 : f32 to vector<16xf32>
    %select_n3A_110 = arith.select %gt3A_107, %get3A_105, %broadcast_in_dim3A_109 : vector<16xf32>
    %add3A_111 = arith.addf %add3A_103, %select_n3A_110 : vector<16xf32>
    %get3A_112 = arith.constant 192 : index
    %get3A_113 = tpu.vector_load %arg6[%get3A_112] {strides = array<i32>} : memref<256xf32, #tpu.memory_space<vmem>>, vector<16xf32>,
    %gt3A_114 = arith.constant 12 : i32
    %gt3A_115 = arith.cmpi sgt, %arg1, %gt3A_114 : i32
    %broadcast_in_dim3A_116 = arith.constant 0.000000e+00 : f32
    %broadcast_in_dim3A_117 = vector.broadcast %broadcast_in_dim3A_116 : f32 to vector<16xf32>
    %select_n3A_118 = arith.select %gt3A_115, %get3A_113, %broadcast_in_dim3A_117 : vector<16xf32>
    %add3A_119 = arith.addf %add3A_111, %select_n3A_118 : vector<16xf32>
    %get3A_120 = arith.constant 208 : index
    %get3A_121 = tpu.vector_load %arg6[%get3A_120] {strides = array<i32>} : memref<256xf32, #tpu.memory_space<vmem>>, vector<16xf32>,
    %gt3A_122 = arith.constant 13 : i32
    %gt3A_123 = arith.cmpi sgt, %arg1, %gt3A_122 : i32
    %broadcast_in_dim3A_124 = arith.constant 0.000000e+00 : f32
    %broadcast_in_dim3A_125 = vector.broadcast %broadcast_in_dim3A_124 : f32 to vector<16xf32>
    %select_n3A_126 = arith.select %gt3A_123, %get3A_121, %broadcast_in_dim3A_125 : vector<16xf32>
    %add3A_127 = arith.addf %add3A_119, %select_n3A_126 : vector<16xf32>
    %get3A_128 = arith.constant 224 : index
    %get3A_129 = tpu.vector_load %arg6[%get3A_128] {strides = array<i32>} : memref<256xf32, #tpu.memory_space<vmem>>, vector<16xf32>,
    %gt3A_130 = arith.constant 14 : i32
    %gt3A_131 = arith.cmpi sgt, %arg1, %gt3A_130 : i32
    %broadcast_in_dim3A_132 = arith.constant 0.000000e+00 : f32
    %broadcast_in_dim3A_133 = vector.broadcast %broadcast_in_dim3A_132 : f32 to vector<16xf32>
    %select_n3A_134 = arith.select %gt3A_131, %get3A_129, %broadcast_in_dim3A_133 : vector<16xf32>
    %add3A_135 = arith.addf %add3A_127, %select_n3A_134 : vector<16xf32>
    %get3A_136 = arith.constant 240 : index
    %get3A_137 = tpu.vector_load %arg6[%get3A_136] {strides = array<i32>} : memref<256xf32, #tpu.memory_space<vmem>>, vector<16xf32>,
    %gt3A_138 = arith.constant 15 : i32
    %gt3A_139 = arith.cmpi sgt, %arg1, %gt3A_138 : i32
    %broadcast_in_dim3A_140 = arith.constant 0.000000e+00 : f32
    %broadcast_in_dim3A_141 = vector.broadcast %broadcast_in_dim3A_140 : f32 to vector<16xf32>
    %select_n3A_142 = arith.select %gt3A_139, %get3A_137, %broadcast_in_dim3A_141 : vector<16xf32>
    %add3A_143 = arith.addf %add3A_135, %select_n3A_142 : vector<16xf32>
    %broadcast_in_dim3A_144 = arith.constant true
    %broadcast_in_dim3A_145 = vector.broadcast %broadcast_in_dim3A_144 : i1 to vector<16xi1>
    %masked_cumsum3A = tpu.scan <sum>, %parallel_loop3A_7 masked %broadcast_in_dim3A_145 : vector<16xf32>, vector<16xi1> -> vector<16xf32>
    %add3A_146 = arith.addf %add3A_143, %masked_cumsum3A : vector<16xf32>
    %sub3A = arith.subf %add3A_146, %parallel_loop3A_7 : vector<16xf32>
    %parallel_loop3A_147 = arith.constant 0 : i32
    %parallel_loop3A_148 = arith.constant 128 : i32
    %parallel_loop3A_149 = arith.constant 1 : i32
    %parallel_loop3A_150 = scf.for %parallel_loop3A_151 = %parallel_loop3A_147 to %parallel_loop3A_148 step %parallel_loop3A_149 iter_args(%parallel_loop3A_152 = %sub3A) -> (vector<16xf32>)  : i32 {
      %parallel_loop3A_153 = vector.broadcast %parallel_loop3A_151 : i32 to vector<16xi32>
      %parallel_loop3A_154 = arith.addi %mul3A_3, %parallel_loop3A_153 : vector<16xi32>
      %parallel_loop3A_155 = tpu.vector_load_idx %arg4[%parallel_loop3A_154] : memref<2048xf32, #tpu.memory_space<vmem>>[vector<16xi32>], vector<16xf32>,
      %parallel_loop3A_156 = arith.addf %parallel_loop3A_152, %parallel_loop3A_155 : vector<16xf32>
      %parallel_loop3A_157 = vector.broadcast %parallel_loop3A_151 : i32 to vector<16xi32>
      %parallel_loop3A_158 = arith.addi %mul3A_3, %parallel_loop3A_157 : vector<16xi32>
      tpu.vector_store_idx %arg4[%parallel_loop3A_158], %parallel_loop3A_156 : memref<2048xf32, #tpu.memory_space<vmem>>[vector<16xi32>], vector<16xf32>,
      scf.yield %parallel_loop3A_156 : vector<16xf32>
    } {sc.loop_unroll_factor = 8 : i64, sc.parallel_access}
    "tpu.region"() ({
      %run_scoped3A = tpu.sem_alloc : memref<!tpu.dma_semaphore, #tpu.memory_space<semaphore_mem>>
      %dma_start3A = tpu.memref_slice %arg3[%mul3A_0] : memref<32768xf32, #tpu.memory_space<hbm>> -> memref<2048xf32, #tpu.memory_space<hbm>>
      %dma_start3A_151 = tpu.memref_slice %arg3[%mul3A_0] : memref<32768xf32, #tpu.memory_space<hbm>> -> memref<2048xf32, #tpu.memory_space<hbm>>
      tpu.enqueue_dma source(%arg4 : memref<2048xf32, #tpu.memory_space<vmem>>) target(%dma_start3A_151 : memref<2048xf32, #tpu.memory_space<hbm>>) target_semaphore(%run_scoped3A : memref<!tpu.dma_semaphore, #tpu.memory_space<semaphore_mem>>)
      %dma_wait3A = tpu.memref_slice %arg3[%mul3A_0] : memref<32768xf32, #tpu.memory_space<hbm>> -> memref<2048xf32, #tpu.memory_space<hbm>>
      %dma_wait3A_152 = tpu.memref_slice %arg3[%mul3A_0] : memref<32768xf32, #tpu.memory_space<hbm>> -> memref<2048xf32, #tpu.memory_space<hbm>>
      tpu.wait_dma2 semaphore(%run_scoped3A : memref<!tpu.dma_semaphore, #tpu.memory_space<semaphore_mem>>) src(%arg4 : memref<2048xf32, #tpu.memory_space<vmem>>) dst(%dma_wait3A_152 : memref<2048xf32, #tpu.memory_space<hbm>>)
      tpu.yield
    }) : () -> ()
    return
  }
}

</mosaic_0001>

<sc_bundles>
// kernel: kernel.3.cloned.1.call-start
scs
__scs_entry_jumppad:
0x0: {  	(pc) =	sbr.rel $0x88, $3  }
0x1: {  	(tag) =	ssettag $0x0;
	lr =	simm.s32 $0x1  }
0x2: {  	[smem:$0x3FA0] =	sst lr;
	_ =	strace $0xD0000000  }
0x3: {  	_ = 	snop  }
0x4: {  	_ = 	snop  }
0x5: {  	_ = 	snop  }
0x6: {  	_ = 	snop  }
0x7: {  	_ = 	snop  }
__scs_overlays_trampoline_lowered:
0x8: {  	[smem:$0x3FAF] =	sst s0  }
0x9: {  	[smem:$0x3FB0] =	sst s1  }
0xa: {  	[smem:$0x3FB1] =	sst s2  }
0xb: {  	[smem:$0x3FB2] =	sst s3  }
0xc: {  	[smem:$0x3FB3] =	sst s4  }
0xd: {  	[smem:$0x3FB4] =	sst s5  }
0xe: {  	[smem:$0x3FB5] =	sst s6  }
0xf: {  	[smem:$0x3FB6] =	sst s7  }
0x10: {  	[smem:$0x3FB7] =	sst s8  }
0x11: {  	[smem:$0x3FB8] =	sst s9;
	s0 =	simm.s32 @!p0 $0x0  }
0x12: {  	s1 =	sld [smem:$0x3F9E];
	s0 =	simm.s32 @p0 $0x1  }
0x13: {  	[smem:$0x3FB9] =	sst s0;
	s0 =	simm.s32 @!p1 $0x0  }
0x14: {  	s2 =	sld [smem:$0x3F9D];
	s0 =	simm.s32 @p1 $0x1  }
0x15: {  	[smem:$0x3FBA] =	sst s0;
	s0 =	simm.s32 @!p2 $0x0  }
0x16: {  	s3 =	sld [smem:$0x3FDB];
	s0 =	simm.s32 @p2 $0x1  }
0x17: {  	s4 =	simm.s32 $0x1BF5;
	[smem:$0x3FBC] =	sst s0  }
0x18: {  	s0 =	sld [smem:$0x3F9F];
	_ =	swait.ge [sflag:s4], $0x0  }
0x19: {  	s7 =	sld [smem:$0x3FA0]  }
0x1a: {  	s8 =	sadd.s32 $0xFFFFE003, lr  }
0x1b: {  	s9 =	sadd.s32 $0xFFFFFEF7, lr;
	s5 =	simm.s32 $0xFFFFFFFF;
	p2 =	slt.u32 s8, $0xFFFFF086  }
0x1c: {  	p1 =	slt.u32 s9, $0xF7A;
	s5 =	simm.s32 @!p2 $0x0  }
0x1d: {  	s5 =	simm.s32 @p1 $0x1;
	p0 =	seq.s32 s7, s2  }
0x1e: {  	s7 =	smul.u32 @!p0 $0xF7A, s2;
	p2 =	seq.s32 @!p0 s5, $0x0  }
0x1f: {  	s9 =	smul.u32 $0xF7A, s1;
	s8 =	simm.s32 @!p0 $0x1BF5;
	p2 =	por !p2, p0  }
0x20: {  	[sflag:s8] =	ssyncset.s32 @!p0 $0xFFFFF086;
	s6 =	sadd.s32 @!p0 s3, s7;
	s7 =	simm.s32 @!p0 $0x108  }
0x21: {  	s3 =	sadd.s32 s3, s9;
	s6 =	sadd.s32 @!p0 $0x88, s6;
	s7 =	simm.s32 @p2 $0x1082  }
0x22: {  	[simem:s7], [sflag:s8] =	dma.local @!p0 [hbm:s6], $0xF7A  }
0x23: {  	s9 =	sor.u32 $0xD0000000, s2;
	s6 =	simm.s32 $0x108;
	_ =	swait.ge @!p0 [sflag:s8], $0x0  }
0x24: {  	s3 =	sadd.s32 $0x88, s3;
	s6 =	simm.s32 @!p1 $0x1082;
	[sflag:s4] =	ssyncset.s32 $0xFFFFF086  }
0x25: {  	[simem:s6], [sflag:s4] =	dma.local [hbm:s3], $0xF7A  }
0x26: {  	[smem:$0x3FA0] =	sst s1;
	(tag) =	ssettag s2;
	_ =	strace s9  }
0x27: {  	s1 =	sld [smem:$0x3FB0]  }
0x28: {  	s2 =	sld [smem:$0x3FB1]  }
0x29: {  	s4 =	sld [smem:$0x3FB3]  }
0x2a: {  	p0 =	seq.s32 s5, $0x0;
	s5 =	sld [smem:$0x3FB4]  }
0x2b: {  	s6 =	sld [smem:$0x3FB5]  }
0x2c: {  	s7 =	sld [smem:$0x3FB6]  }
0x2d: {  	s3 =	simm.s32 $0x108;
	s8 =	sld [smem:$0x3FB7]  }
0x2e: {  	s3 =	simm.s32 @!p0 $0x1082;
	s9 =	sld [smem:$0x3FB8]  }
0x2f: {  	lr =	sadd.s32 s0, s3;
	s0 =	sld [smem:$0x3FAF]  }
0x30: {  	s3 =	sld [smem:$0x3FB2]  }
0x31: {  	[smem:$0x3FBB] =	sst s10  }
0x32: {  	s10 =	sld [smem:$0x3FB9];
	_ =	sdelay $0x3  }
0x33: {  	p0 =	seq.s32 s10, $0x1;
	s10 =	sld [smem:$0x3FBB];
	_ =	sdelay $0x3  }
0x34: {  	[smem:$0x3FBB] =	sst s10  }
0x35: {  	s10 =	sld [smem:$0x3FBA];
	_ =	sdelay $0x3  }
0x36: {  	p1 =	seq.s32 s10, $0x1;
	s10 =	sld [smem:$0x3FBB];
	_ =	sdelay $0x3  }
0x37: {  	[smem:$0x3FBB] =	sst s10  }
0x38: {  	s10 =	sld [smem:$0x3FBC]  }
0x39: {  	_ = 	snop;
	(pc) =	sbr.ind lr, $3  }
0x3a: {  	_ = 	snop  }
0x3b: {  	_ = 	snop  }
0x3c: {  	p2 =	seq.s32 s10, $0x1;
	s10 =	sld [smem:$0x3FBB]  }
0x3d: {  	_ =	shalt  }
0x3e: {  	_ =	shalt  }
0x3f: {  	_ =	shalt  }
0x40: {  	_ =	shalt  }
0x41: {  	_ =	shalt  }
0x42: {  	_ =	shalt  }
0x43: {  	_ =	shalt  }
0x44: {  	_ =	shalt  }
0x45: {  	_ =	shalt  }
0x46: {  	_ =	shalt  }
0x47: {  	_ =	shalt  }
0x48: {  	_ =	shalt  }
0x49: {  	_ =	shalt  }
0x4a: {  	_ =	shalt  }
0x4b: {  	_ =	shalt  }
0x4c: {  	_ =	shalt  }
0x4d: {  	_ =	shalt  }
0x4e: {  	_ =	shalt  }
0x4f: {  	_ =	shalt  }
0x50: {  	_ =	shalt  }
0x51: {  	_ =	shalt  }
0x52: {  	_ =	shalt  }
0x53: {  	_ =	shalt  }
0x54: {  	_ =	shalt  }
0x55: {  	_ =	shalt  }
0x56: {  	_ =	shalt  }
0x57: {  	_ =	shalt  }
0x58: {  	_ =	shalt  }
0x59: {  	_ =	shalt  }
0x5a: {  	_ =	shalt  }
0x5b: {  	_ =	shalt  }
0x5c: {  	_ =	shalt  }
0x5d: {  	_ =	shalt  }
0x5e: {  	_ =	shalt  }
0x5f: {  	_ =	shalt  }
0x60: {  	_ =	shalt  }
0x61: {  	_ =	shalt  }
0x62: {  	_ =	shalt  }
0x63: {  	_ =	shalt  }
0x64: {  	_ =	shalt  }
0x65: {  	_ =	shalt  }
0x66: {  	_ =	shalt  }
0x67: {  	_ =	shalt  }
0x68: {  	_ =	shalt  }
0x69: {  	_ =	shalt  }
0x6a: {  	_ =	shalt  }
0x6b: {  	_ =	shalt  }
0x6c: {  	_ =	shalt  }
0x6d: {  	_ =	shalt  }
0x6e: {  	_ =	shalt  }
0x6f: {  	_ =	shalt  }
0x70: {  	_ =	shalt  }
0x71: {  	_ =	shalt  }
0x72: {  	_ =	shalt  }
0x73: {  	_ =	shalt  }
0x74: {  	_ =	shalt  }
0x75: {  	_ =	shalt  }
0x76: {  	_ =	shalt  }
0x77: {  	_ =	shalt  }
0x78: {  	_ =	shalt  }
0x79: {  	_ =	shalt  }
0x7a: {  	_ =	shalt  }
0x7b: {  	_ =	shalt  }
0x7c: {  	_ =	shalt  }
0x7d: {  	_ =	shalt  }
0x7e: {  	_ =	shalt  }
0x7f: {  	_ =	shalt  }
0x80: {  	_ =	shalt  }
0x81: {  	_ =	shalt  }
0x82: {  	_ =	shalt  }
0x83: {  	_ =	shalt  }
0x84: {  	_ =	shalt  }
0x85: {  	_ =	shalt  }
0x86: {  	_ =	shalt  }
0x87: {  	_ =	shalt  }
.Lfunc_end0:
.L_simem_size_0:
called_computation_lowered:
.L_overlay_start_0:
0x88: {  	s0 =	sld [smem:$0x3FD9]  }
0x89: {  	s1 =	sld [smem:$0x3FFE];
	_ =	sdelay $0x3  }
0x8a: {  	s0 =	sadd.s32 s1, s0  }
0x8b: {  	[smem:$0x3FC7] =	sst s0  }
0x8c: {  	_ = 	snop  }
0x8d: {  	s0 =	sld [smem:$0x3FC9]  }
0x8e: {  	s17 =	sld [smem:$0x3FD0];
	(tm) =	ssettm $0x1  }
0x8f: {  	s2 =	sld [smem:$0x3FFB];
	_ =	sdelay $0x3  }
0x90: {  	_ =	strace s2  }
0x91: {  	s2 =	sld [smem:$0x3FFC];
	_ =	sdelay $0x3  }
0x92: {  	_ =	strace s2  }
0x93: {  	s2 =	sld [smem:$0x3FFD];
	_ =	sdelay $0x3  }
0x94: {  	_ =	strace s2  }
0x95: {  	_ =	strace $0x8FFFFFFF  }
0x96: {  	s18 =	sld [smem:$0x3FDB];
	_ =	sdelay $0x1  }
0x97: {  	s3 =	simm.s32 $_scs_section_size  }
0x98: {  	s4 =	simm.s32 $_size__tile_overlayer_lowered;
	s5 =	simm.s32 $_tile_overlayer_lowered  }
0x99: {  	s21 =	simm.s32 $0x1BFF;
	s20 =	sshll.u32 s5, $0x1;
	s2 =	sadd.s32 s3, s18  }
0x9a: {  	s6 =	simm.s32 $0x0;
	s19 =	sshll.u32 s4, $0x1;
	s4 =	sadd.s32 s20, s2  }
0x9b: {  	[timem:s6], [sflag:s21] =	dma.local [hbm:s4], s19  }
0x9c: {  	_ =	swait.ge [sflag:s21], s19  }
0x9d: {  	s3 =	ssub.s32 $0x0, s19;
	[sflag:s21] =	ssyncset.done $0x0  }
0x9e: {  	[sflag:s21] =	ssyncadd.s32 s3;
	_ =	sdelay $0x1  }
0x9f: {  	s22 =	simm.s32 $0x1B8B  }
0xa0: {  	_ =	swait.ge [sflag:s22], $0x1  }
0xa1: {  	[sflag:s22] =	ssyncset.done $0x0  }
0xa2: {  	s23 =	simm.s32 $0x1B8E;
	[sflag:s22] =	ssyncadd.s32 $0xFFFFFFFF  }
0xa3: {  	s24 =	simm.s32 $execute0_lowered;
	[smem:$0x3FD2] =	sst s23  }
0xa4: {  	s3 =	sshll.u32 s24, $0x1;
	_ =	strace $0x80000046;
	[dreg:$0x1] =	wrdreg $0xFFFFFFFF  }
0xa5: {  	s25 =	simm.s32 $_size_execute0_lowered;
	s2 =	sadd.s32 s2, s3;
	[dreg:$0x0] =	wrdreg $0x0  }
0xa6: {  	s3 =	sshll.u32 s25, $0x1;
	[dreg:$0x2] =	wrdreg s2  }
0xa7: {  	[dreg:$0x3] =	wrdreg s3  }
0xa8: {  	[dreg:$0x4] =	wrdreg $0xC0  }
0xa9: {  	_ =	task [dreg:s6], $0x5FFFF  }
0xaa: {  	[dreg:$0x1] =	wrdreg $0xFFFFFFFF  }
0xab: {  	[dreg:$0x0] =	wrdreg $0x60  }
0xac: {  	[dreg:$0x2] =	wrdreg s0  }
0xad: {  	[dreg:$0x3] =	wrdreg s17  }
0xae: {  	[dreg:$0x4] =	wrdreg $0x9800  }
0xaf: {  	[dreg:$0x5] =	wrdreg $0x9  }
0xb0: {  	_ =	task.clear_ibuf [dreg:s6], $0x6FFFF;
	_ =	strace $0x90000046  }
0xb1: {  	s26 =	simm.s32 $0x9;
	_ =	strace $0x80000048  }
0xb2: {  	_ =	swait.ge [sflag:s26], $0x1  }
0xb3: {  	[sflag:s26] =	ssyncadd.s32 $0xFFFFFFFF  }
0xb4: {  	_ =	strace $0x90000048  }
0xb5: {  	_ =	sfence  }
0xb6: {  	s28 =	sld [smem:$0x0];
	_ =	sdelay $0x1  }
0xb7: {  	s29 =	srdreg.scid  }
0xb8: {  	s30 =	sshll.u32 s29, $0xD;
	s31 =	sshrl.u32 s29, $0x2  }
0xb9: {  	s1 =	sand.u32 $0x1, s29;
	s2 =	sand.u32 $0x4000, s30;
	s0 =	sadd.s32 s31, s28  }
0xba: {  	s1 =	sor.u32 s2, s1;
	s0 =	sshll.u32 s0, $0x11  }
0xbb: {  	s0 =	sor.u32 s0, s1  }
0xbc: {  	s0 =	sadd.s32 $0x8F2B, s0  }
0xbd: {  	[sflag:s0] =	ssyncadd.remote.s32 $0x1  }
0xbe: {  	_ =	sfence.sel $0xFFFF  }
0xbf: {  	[dreg:$0x0] =	wrdreg $0xFFFFFFFF;
	(pc) =	sbr.abs _section_cstart, $3  }
0xc0: {  	[dreg:$0x1] =	wrdreg $0xFFFFFFFF  }
0xc1: {  	_ =	task.clear_ibuf [dreg:s6], $0x2FFFF;
	_ =	strace $0x9FFFFFFF  }
0xc2: {  	(tm) =	ssettm $0x7FFFFFFF  }
0xc3: {  	_ =	shalt  }
tec
execute0_lowered:
.L_overlay_start_1:
0x0: {  	(tag) =	ssettag $0x1  }
0x1: {  	s6 =	rddreg [dreg:$0x0];
	s5 =	simm.s32 $0x0  }
0x2: {  	s2 =	rddreg [dreg:$0x1];
	v0 =	vmov s5  }
0x3: {  	s4 =	rddreg [dreg:$0x2];
	v1 =	vlaneseq.u32;
	s25 =	simm.s32 $0x1;
	v2 =	vand.u32 $0x78, v0  }
0x4: {  	s0 =	rddreg [dreg:$0x3];
	s1 =	stileid.u32;
	s26 =	simm.s32 $0x2;
	v0 =	vmul.u32 $0x80, v1;
	v1 =	vbroadcast v2, $0x0;
	v2 =	vmov s25  }
0x5: {  	s28 =	simm.s32 $0x3;
	[smem:$0x7FF] =	sst s5;
	s3 =	sshll.u32 s1, $0x8;
	v2 =	vand.u32 $0x79, v2  }
0x6: {  	s7 =	simm.s32 $0x1;
	v3 =	vmov s26;
	_ =	strace $0x80000047;
	s6 =	sadd.s32 s6, s3;
	v1 =	vor.u32 v0, v1;
	v2 =	vbroadcast v2, $0x0  }
0x7: {  	v4 =	vmov s28;
	v3 =	vand.u32 $0x7A, v3;
	[tilespmem:s5], [sflag:$0x1] =	stream.linear.gather [hbm4b:s6+s5], $0x800, $0x38;
	[tilespmem:$0x990] =	vst v63  }
0x8: {  	s29 =	simm.s32 $0x4;
	v4 =	vand.u32 $0x7B, v4;
	v3 =	vbroadcast v3, $0x0;
	_ =	swait.ge [sflag:s7], $0x800;
	v2 =	vor.u32 v0, v2  }
0x9: {  	s31 =	simm.s32 $0x6;
	v5 =	vmov s29;
	v4 =	vbroadcast v4, $0x0;
	[sflag:s7] =	ssyncset.done $0x0  }
0xa: {  	s30 =	simm.s32 $0x5;
	v6 =	vmov s31;
	v5 =	vand.u32 $0x7C, v5;
	v3 =	vor.u32 v0, v3;
	[sflag:s7] =	ssyncadd.s32 $0xFFFFF800  }
0xb: {  	v7 =	vbroadcast v5, $0x0;
	v8 =	vor.u32 v0, v4;
	v4 =	vmov s30;
	v1 =	vld.idx.msk [tilespmem:v1+s5+$0x0], $0xffff  }
0xc: {  	v6 =	vand.u32 $0x7E, v6;
	v4 =	vand.u32 $0x7D, v4  }
0xd: {  	v4 =	vbroadcast v4, $0x0;
	v5 =	vld.idx.msk [tilespmem:v2+s5+$0x0], $0xffff;
	v2 =	vbroadcast v6, $0x0;
	v6 =	vor.u32 v0, v7;
	_ =	sdelay $0x1  }
0xe: {  	v9 =	vimm.f32 $0.0e+00;
	v4 =	vor.u32 v0, v4;
	v3 =	vld.idx.msk [tilespmem:v3+s5+$0x0], $0xffff  }
0xf: {  	s6 =	simm.s32 $0x8;
	v7 =	vadd.f32 v1, v9  }
0x10: {  	s8 =	simm.s32 $0x0;
	s7 =	simm.s32 $0x10;
	v2 =	vor.u32 v0, v2;
	v1 =	vld.idx.msk [tilespmem:v8+s5+$0x0], $0xffff;
	v8 =	vmov s6  }
.LBB2_1:
0x11: {  	p0 =	slt.u32 s7, $0x78;
	v8 =	vand.u32 $0x78, v8;
	s9 =	sadd.s32 $0x1, s6;
	v5 =	vadd.f32 v5, v7;
	v6 =	vld.idx.msk [tilespmem:v6+s5+$0x0], $0xffff;
	s8 =	sadd.s32 $0x7, s8  }
0x12: {  	v7 =	vbroadcast v8, $0x0;
	v8 =	vmov s9;
	v9 =	vor.u32 s8, v0;
	s8 =	smov.u32 s6;
	s6 =	smov.u32 s7  }
0x13: {  	v8 =	vand.u32 $0x79, v8;
	s9 =	sadd.s32 $0x2, s8;
	v3 =	vadd.f32 v3, v5;
	v4 =	vld.idx.msk [tilespmem:v4+s5+$0x0], $0xffff  }
0x14: {  	v5 =	vor.u32 v0, v7;
	v7 =	vbroadcast v8, $0x0;
	v8 =	vmov s9  }
0x15: {  	s9 =	sadd.s32 $0x3, s8;
	v8 =	vand.u32 $0x7A, v8;
	v1 =	vadd.f32 v1, v3;
	v2 =	vld.idx.msk [tilespmem:v2+s5+$0x0], $0xffff  }
0x16: {  	v3 =	vor.u32 v0, v7;
	v7 =	vbroadcast v8, $0x0;
	v8 =	vmov s9  }
0x17: {  	s9 =	sadd.s32 $0x4, s8;
	v8 =	vand.u32 $0x7B, v8;
	v1 =	vadd.f32 v6, v1;
	v9 =	vld.idx.msk [tilespmem:v9+s5+$0x0], $0xffff  }
0x18: {  	v7 =	vor.u32 v0, v7;
	v6 =	vbroadcast v8, $0x0;
	v8 =	vmov s9  }
0x19: {  	s9 =	sadd.s32 $0x5, s8;
	v10 =	vld.idx.msk [tilespmem:v5+s5+$0x0], $0xffff;
	v5 =	vand.u32 $0x7C, v8;
	v1 =	vadd.f32 v4, v1  }
0x1a: {  	v8 =	vor.u32 v0, v6;
	v4 =	vbroadcast v5, $0x0;
	v6 =	vmov s9  }
0x1b: {  	s9 =	sadd.s32 $0x6, s8;
	v5 =	vld.idx.msk [tilespmem:v3+s5+$0x0], $0xffff;
	v3 =	vand.u32 $0x7D, v6;
	v1 =	vadd.f32 v2, v1  }
.Ltmp0:
0x1c: {  	v6 =	vor.u32 v0, v4;
	v2 =	vbroadcast v3, $0x0;
	v4 =	vmov s9;
	(pc) =	sbr.rel @p0 .LBB2_1-.Ltmp0, $4  }
0x1d: {  	v3 =	vld.idx.msk [tilespmem:v7+s5+$0x0], $0xffff;
	v7 =	vand.u32 $0x7E, v4;
	v1 =	vadd.f32 v9, v1  }
0x1e: {  	v4 =	vor.u32 v0, v2;
	v2 =	vbroadcast v7, $0x0  }
0x1f: {  	v7 =	vadd.f32 v10, v1;
	v1 =	vld.idx.msk [tilespmem:v8+s5+$0x0], $0xffff  }
0x20: {  	s7 =	sadd.s32 $0x8, s7;
	v8 =	vmov s6;
	v2 =	vor.u32 v0, v2  }
0x21: {  	_ =	sdelay $0x2  }
0x22: {  	v8 =	vand.u32 $0x78, v8;
	v5 =	vadd.f32 v5, v7  }
0x23: {  	s7 =	sadd.s32 $0x1, s6;
	v6 =	vld.idx.msk [tilespmem:v6+s5+$0x0], $0xffff;
	s8 =	sadd.s32 $0x7, s8;
	v7 =	vbroadcast v8, $0x0  }
0x24: {  	s15 =	sadd.s32 $0x2, s6;
	v8 =	vmov s7;
	v9 =	vor.u32 s8, v0;
	v3 =	vadd.f32 v3, v5  }
0x25: {  	v4 =	vld.idx.msk [tilespmem:v4+s5+$0x0], $0xffff;
	v5 =	vand.u32 $0x79, v8;
	v8 =	vmov s15;
	v7 =	vor.u32 v0, v7  }
0x26: {  	v5 =	vbroadcast v5, $0x0;
	v8 =	vand.u32 $0x7A, v8;
	v1 =	vadd.f32 v1, v3  }
0x27: {  	s16 =	sadd.s32 $0x3, s6;
	v2 =	vld.idx.msk [tilespmem:v2+s5+$0x0], $0xffff;
	v3 =	vbroadcast v8, $0x0  }
0x28: {  	s17 =	sadd.s32 $0x4, s6;
	v8 =	vmov s16;
	v5 =	vor.u32 v0, v5;
	v1 =	vadd.f32 v6, v1  }
0x29: {  	v6 =	vand.u32 $0x7B, v8;
	v8 =	vld.idx.msk [tilespmem:v9+s5+$0x0], $0xffff;
	v3 =	vor.u32 v0, v3;
	v9 =	vmov s17  }
0x2a: {  	v6 =	vbroadcast v6, $0x0;
	v9 =	vand.u32 $0x7C, v9;
	v1 =	vadd.f32 v4, v1  }
0x2b: {  	s18 =	sadd.s32 $0x5, s6;
	v4 =	vld.idx.msk [tilespmem:v7+s5+$0x0], $0xffff;
	v7 =	vbroadcast v9, $0x0  }
0x2c: {  	v9 =	vmov s18;
	v6 =	vor.u32 v0, v6;
	v1 =	vadd.f32 v2, v1  }
0x2d: {  	s19 =	sadd.s32 $0x6, s6;
	v2 =	vld.idx.msk [tilespmem:v5+s5+$0x0], $0xffff;
	v5 =	vand.u32 $0x7D, v9;
	v7 =	vor.u32 v0, v7  }
0x2e: {  	v9 =	vmov s19;
	v5 =	vbroadcast v5, $0x0;
	v1 =	vadd.f32 v8, v1  }
0x2f: {  	v3 =	vld.idx.msk [tilespmem:v3+s5+$0x0], $0xffff;
	v8 =	vand.u32 $0x7E, v9  }
0x30: {  	v5 =	vor.u32 v0, v5;
	v8 =	vbroadcast v8, $0x0;
	v1 =	vadd.f32 v4, v1  }
0x31: {  	v4 =	vld.idx.msk [tilespmem:v6+s5+$0x0], $0xffff  }
0x32: {  	v6 =	vor.u32 v0, v8;
	v1 =	vadd.f32 v2, v1  }
0x33: {  	s20 =	sadd.s32 $0x7, s6;
	v2 =	vld.idx.msk [tilespmem:v7+s5+$0x0], $0xffff  }
0x34: {  	v0 =	vor.u32 s20, v0;
	v1 =	vadd.f32 v3, v1  }
0x35: {  	v3 =	vld.idx.msk [tilespmem:v5+s5+$0x0], $0xffff  }
0x36: {  	v1 =	vadd.f32 v4, v1  }
0x37: {  	v4 =	vld.idx.msk [tilespmem:v6+s5+$0x0], $0xffff  }
0x38: {  	v1 =	vadd.f32 v2, v1  }
0x39: {  	v0 =	vld.idx.msk [tilespmem:v0+s5+$0x0], $0xffff  }
0x3a: {  	v1 =	vadd.f32 v3, v1;
	_ =	sdelay $0x1  }
0x3b: {  	v1 =	vadd.f32 v4, v1;
	_ =	sdelay $0x1  }
0x3c: {  	v5 =	vadd.f32 v0, v1;
	_ =	sdelay $0x1  }
0x3d: {  	(xrf2) =	vadd.scan.msk.f32 $0xffff, v5;
	_ =	sdelay $0x9  }
0x3e: {  	v6, _, _ =	vpop (xrf2)  }
0x3f: {  	v0 =	vadd.f32 $0.0e+00, v6;
	_ =	sdelay $0x1  }
0x40: {  	v0 =	vbroadcast v0, $0xF  }
0x41: {  	s21 =	sshll.u32 s1, $0x4  }
0x42: {  	s22 =	simm.s32 $0x800;
	s23 =	simm.s32 $0x1;
	s5 =	sadd.s32 s21, s4;
	[tilespmem:$0x800] =	vst v0  }
0x43: {  	[spmem:s5] =	stream.linear.scatter [tilespmem:s22], [sflag:$0x1], $0x10, $0x38;
	[tilespmem:$0x990] =	vst v63  }
0x44: {  	_ =	swait.ge [sflag:s23], $0x10  }
0x45: {  	[sflag:s23] =	ssyncset.done $0x0  }
0x46: {  	[sflag:s23] =	ssyncadd.s32 $0xFFFFFFF0  }
0x47: {  	s24 =	simm.s32 $0x880;
	[bflag:$0x0] =	sbarrier.arrive $0xFFFF  }
0x48: {  	[tilespmem:s24], [sflag:$0x1] =	stream.linear.gather [spmem:s4], $0x100, $0x38;
	[tilespmem:$0x990] =	vst v63  }
0x49: {  	_ =	swait.ge [sflag:s23], $0x100  }
0x4a: {  	[sflag:s23] =	ssyncset.done $0x0  }
0x4b: {  	[sflag:s23] =	ssyncadd.s32 $0xFFFFFF00  }
0x4c: {  	v0 =	vld [tilespmem:$0x880];
	_ =	sdelay $0x1  }
0x4d: {  	v1 =	vld [tilespmem:$0x890];
	_ =	sdelay $0x1  }
0x4e: {  	v2 =	vld [tilespmem:$0x8A0]  }
0x4f: {  	v0 =	vadd.f32 $0.0e+00, v0  }
0x50: {  	p0 =	seq.s32 s1, $0x0;
	p1 =	sgt.u32 s1, $0x1;
	v3 =	vld [tilespmem:$0x8B0]  }
0x51: {  	v1 =	vpsel !p1, $0x0, v1;
	v0 =	vpsel p0, $0x0, v0  }
0x52: {  	p6 =	sgt.u32 s1, $0x2;
	v0 =	vadd.f32 v1, v0;
	v1 =	vld [tilespmem:$0x8C0]  }
0x53: {  	v2 =	vpsel !p6, $0x0, v2  }
0x54: {  	p1 =	sgt.u32 s1, $0x3;
	v0 =	vadd.f32 v2, v0;
	v2 =	vld [tilespmem:$0x8D0]  }
0x55: {  	v3 =	vpsel !p1, $0x0, v3  }
0x56: {  	p2 =	sgt.u32 s1, $0x4;
	v0 =	vadd.f32 v3, v0;
	v3 =	vld [tilespmem:$0x8E0]  }
0x57: {  	v1 =	vpsel !p2, $0x0, v1  }
0x58: {  	p3 =	sgt.u32 s1, $0x5;
	v0 =	vadd.f32 v1, v0;
	v1 =	vld [tilespmem:$0x8F0]  }
0x59: {  	v2 =	vpsel !p3, $0x0, v2  }
0x5a: {  	p4 =	sgt.u32 s1, $0x6;
	v0 =	vadd.f32 v2, v0;
	v2 =	vld [tilespmem:$0x900]  }
0x5b: {  	v3 =	vpsel !p4, $0x0, v3  }
0x5c: {  	p5 =	sgt.u32 s1, $0x7;
	v0 =	vadd.f32 v3, v0;
	v3 =	vld [tilespmem:$0x910]  }
0x5d: {  	v1 =	vpsel !p5, $0x0, v1  }
0x5e: {  	p6 =	sgt.u32 s1, $0x8;
	v0 =	vadd.f32 v1, v0;
	v1 =	vld [tilespmem:$0x920]  }
0x5f: {  	v2 =	vpsel !p6, $0x0, v2  }
0x60: {  	p1 =	sgt.u32 s1, $0x9;
	v0 =	vadd.f32 v2, v0;
	v2 =	vld [tilespmem:$0x930]  }
0x61: {  	v3 =	vpsel !p1, $0x0, v3  }
0x62: {  	p2 =	sgt.u32 s1, $0xA;
	v0 =	vadd.f32 v3, v0;
	v3 =	vld [tilespmem:$0x940]  }
0x63: {  	v1 =	vpsel !p2, $0x0, v1  }
0x64: {  	p3 =	sgt.u32 s1, $0xB;
	v0 =	vadd.f32 v1, v0;
	v1 =	vld [tilespmem:$0x950]  }
0x65: {  	v4 =	vld [tilespmem:$0x960];
	v2 =	vpsel !p3, $0x0, v2  }
0x66: {  	s28 =	simm.s32 $0x3;
	s4 =	simm.s32 $0x0;
	p4 =	sgt.u32 s1, $0xC;
	v0 =	vadd.f32 v2, v0  }
0x67: {  	v8 =	vmov s28;
	v2 =	vpsel !p4, $0x0, v3;
	v3 =	vmov s4  }
0x68: {  	p5 =	sgt.u32 s1, $0xD;
	v2 =	vadd.f32 v2, v0;
	v0 =	vlaneseq.u32;
	v3 =	vand.u32 $0x78, v3  }
0x69: {  	s25 =	simm.s32 $0x1;
	p6 =	seq.s32 s1, $0xF;
	v1 =	vpsel !p5, $0x0, v1;
	v0 =	vmul.u32 $0x80, v0;
	v3 =	vbroadcast v3, $0x0  }
0x6a: {  	s26 =	simm.s32 $0x2;
	v4 =	vpsel !p6, $0x0, v4;
	v2 =	vadd.f32 v1, v2;
	v1 =	vmov s25  }
0x6b: {  	v7 =	vand.u32 $0x79, v1;
	v1 =	vor.u32 v0, v3;
	v3 =	vmov s26  }
0x6c: {  	v7 =	vbroadcast v7, $0x0;
	v3 =	vand.u32 $0x7A, v3;
	v4 =	vadd.f32 v4, v2  }
0x6d: {  	v8 =	vand.u32 $0x7B, v8;
	v3 =	vbroadcast v3, $0x0  }
0x6e: {  	s29 =	simm.s32 $0x4;
	v2 =	vor.u32 v0, v7;
	v7 =	vbroadcast v8, $0x0;
	v8 =	vadd.f32 $0.0e+00, v4  }
0x6f: {  	v9 =	vmov s29;
	v3 =	vor.u32 v0, v3  }
0x70: {  	s30 =	simm.s32 $0x5;
	v4 =	vor.u32 v0, v7;
	v6 =	vadd.f32 v8, v6;
	v7 =	vand.u32 $0x7C, v9  }
0x71: {  	v10 =	vld.idx.msk [tilespmem:v1+s4+$0x0], $0xffff;
	v8 =	vmov s30;
	v7 =	vbroadcast v7, $0x0  }
0x72: {  	s31 =	simm.s32 $0x6;
	v9 =	vand.u32 $0x7D, v8;
	v12 =	vsub.f32 v6, v5  }
0x73: {  	v6 =	vbroadcast v9, $0x0;
	v9 =	vmov s31;
	v8 =	vld.idx.msk [tilespmem:v2+s4+$0x0], $0xffff;
	v5 =	vor.u32 v0, v7  }
0x74: {  	v9 =	vand.u32 $0x7E, v9  }
0x75: {  	v7 =	vld.idx.msk [tilespmem:v3+s4+$0x0], $0xffff;
	v6 =	vor.u32 v0, v6;
	v11 =	vbroadcast v9, $0x0  }
0x76: {  	s6 =	simm.s32 $0x8;
	s5 =	simm.s32 $0x0;
	v10 =	vadd.f32 v10, v12;
	v9 =	vld.idx.msk [tilespmem:v4+s4+$0x0], $0xffff  }
.LBB2_3:
0x77: {  	v12 =	vmov s6;
	p0 =	slt.u32 s6, $0x78;
	v11 =	vor.u32 v0, v11  }
0x78: {  	s7 =	sadd.s32 $0x1, s6;
	s8 =	sadd.s32 $0x7, s5;
	s5 =	smov.u32 s6;
	v12 =	vand.u32 $0x78, v12;
	[tilespmem:v1+s4+$0x0] =	vst.idx.msk $0xffff, v10;
	v1 =	vadd.f32 v8, v10;
	v8 =	vld.idx.msk [tilespmem:v5+s4+$0x0], $0xffff  }
0x79: {  	v13 =	vor.u32 s8, v0;
	v10 =	vbroadcast v12, $0x0;
	v12 =	vmov s7  }
0x7a: {  	s7 =	sadd.s32 $0x2, s6;
	v12 =	vand.u32 $0x79, v12;
	[tilespmem:v2+s4+$0x0] =	vst.idx.msk $0xffff, v1;
	v2 =	vadd.f32 v7, v1;
	v7 =	vld.idx.msk [tilespmem:v6+s4+$0x0], $0xffff  }
0x7b: {  	v1 =	vor.u32 v0, v10;
	v10 =	vbroadcast v12, $0x0;
	v12 =	vmov s7  }
0x7c: {  	s7 =	sadd.s32 $0x3, s6;
	v12 =	vand.u32 $0x7A, v12;
	[tilespmem:v3+s4+$0x0] =	vst.idx.msk $0xffff, v2;
	v3 =	vadd.f32 v9, v2;
	v9 =	vld.idx.msk [tilespmem:v11+s4+$0x0], $0xffff  }
0x7d: {  	v2 =	vor.u32 v0, v10;
	v10 =	vbroadcast v12, $0x0;
	v12 =	vmov s7  }
0x7e: {  	s7 =	sadd.s32 $0x4, s6;
	v12 =	vand.u32 $0x7B, v12;
	[tilespmem:v4+s4+$0x0] =	vst.idx.msk $0xffff, v3;
	v4 =	vadd.f32 v8, v3;
	v14 =	vld.idx.msk [tilespmem:v13+s4+$0x0], $0xffff  }
0x7f: {  	v3 =	vor.u32 v0, v10;
	v8 =	vbroadcast v12, $0x0;
	v10 =	vmov s7  }
0x80: {  	s7 =	sadd.s32 $0x5, s6;
	v12 =	vld.idx.msk [tilespmem:v1+s4+$0x0], $0xffff;
	v10 =	vand.u32 $0x7C, v10;
	[tilespmem:v5+s4+$0x0] =	vst.idx.msk $0xffff, v4;
	v5 =	vadd.f32 v7, v4  }
0x81: {  	v4 =	vor.u32 v0, v8;
	v7 =	vbroadcast v10, $0x0;
	v10 =	vmov s7  }
.Ltmp1:
0x82: {  	s7 =	sadd.s32 $0x6, s6;
	v8 =	vld.idx.msk [tilespmem:v2+s4+$0x0], $0xffff;
	v10 =	vand.u32 $0x7D, v10;
	[tilespmem:v6+s4+$0x0] =	vst.idx.msk $0xffff, v5;
	v6 =	vadd.f32 v9, v5;
	(pc) =	sbr.rel @p0 .LBB2_3-.Ltmp1, $4  }
0x83: {  	v5 =	vor.u32 v0, v7;
	v9 =	vbroadcast v10, $0x0;
	v10 =	vmov s7  }
0x84: {  	v7 =	vld.idx.msk [tilespmem:v3+s4+$0x0], $0xffff;
	v10 =	vand.u32 $0x7E, v10;
	[tilespmem:v11+s4+$0x0] =	vst.idx.msk $0xffff, v6;
	v14 =	vadd.f32 v14, v6  }
0x85: {  	v6 =	vor.u32 v0, v9;
	v11 =	vbroadcast v10, $0x0  }
0x86: {  	s6 =	sadd.s32 $0x8, s6;
	v10 =	vadd.f32 v12, v14;
	v9 =	vld.idx.msk [tilespmem:v4+s4+$0x0], $0xffff;
	[tilespmem:v13+s4+$0x0] =	vst.idx.msk $0xffff, v14  }
0x87: {  	_ =	sdelay $0x2  }
0x88: {  	v11 =	vor.u32 v0, v11;
	v8 =	vadd.f32 v8, v10  }
0x89: {  	v12 =	vld.idx.msk [tilespmem:v5+s4+$0x0], $0xffff;
	s5 =	sadd.s32 $0x7, s5  }
0x8a: {  	v60 =	vor.u32 s5, v0;
	v7 =	vadd.f32 v7, v8  }
0x8b: {  	v13 =	vld.idx.msk [tilespmem:v6+s4+$0x0], $0xffff  }
0x8c: {  	v9 =	vadd.f32 v9, v7  }
0x8d: {  	v14 =	vld.idx.msk [tilespmem:v11+s4+$0x0], $0xffff  }
0x8e: {  	v12 =	vadd.f32 v12, v9  }
0x8f: {  	[tilespmem:v1+s4+$0x0] =	vst.idx.msk $0xffff, v10;
	v61 =	vld.idx.msk [tilespmem:v60+s4+$0x0], $0xffff  }
0x90: {  	[tilespmem:v2+s4+$0x0] =	vst.idx.msk $0xffff, v8;
	v62 =	vadd.f32 v13, v12  }
0x91: {  	[tilespmem:v3+s4+$0x0] =	vst.idx.msk $0xffff, v7  }
0x92: {  	[tilespmem:v4+s4+$0x0] =	vst.idx.msk $0xffff, v9;
	v63 =	vadd.f32 v14, v62  }
0x93: {  	[tilespmem:v5+s4+$0x0] =	vst.idx.msk $0xffff, v12  }
0x94: {  	[tilespmem:v6+s4+$0x0] =	vst.idx.msk $0xffff, v62;
	v1 =	vadd.f32 v61, v63  }
0x95: {  	[tilespmem:v11+s4+$0x0] =	vst.idx.msk $0xffff, v63  }
0x96: {  	s2 =	sadd.s32 s2, s3;
	s30 =	simm.s32 $0x0;
	s31 =	simm.s32 $0x1;
	[tilespmem:v60+s4+$0x0] =	vst.idx.msk $0xffff, v1  }
0x97: {  	[hbm4b:s2+s30] =	stream.linear.scatter [tilespmem:s30], [sflag:$0x1], $0x800, $0x38;
	[tilespmem:$0x990] =	vst v63  }
0x98: {  	_ =	swait.ge [sflag:s31], $0x800  }
0x99: {  	[sflag:s31] =	ssyncset.done $0x0  }
0x9a: {  	[sflag:s31] =	ssyncadd.s32 $0xFFFFF800  }
0x9b: {  	_ =	sfence.sel $0x180000  }
0x9c: {  	[bflag:$0x0] =	sbarrier.arrive $0xFFFF  }
0x9d: {  	p0 =	sne.s32 s1, $0x0;
	_ =	strace $0x90000047  }
0x9e: {  	s0 =	sadd.s32 @!p0 $0x100000, s0;
	[bflag:$0x2] =	sbarrier.arrive $0xFFFF  }
0x9f: {  	[sflag:s0] =	ssyncadd.tile.s32 @!p0 $0x1;
	_ =	shalt  }
.Lfunc_end2:
_tile_overlayer_lowered:
.L_overlay_start_2:
0xa0: {  	(tag) =	ssettag $0x2  }
0xa1: {  	s0 =	rddreg [dreg:$0x0];
	s2 =	stileid.u32  }
0xa2: {  	s1 =	rddreg [dreg:$0x1];
	p0 =	sne.s32 s2, $0x0  }
0xa3: {  	s3 =	rddreg [dreg:$0x2];
	[bflag:$0x3] =	sbarrier.arrive $0xFFFF;
	s2 =	simm.s32 @!p0 $0x1C01  }
0xa4: {  	[timem:s3], [sflag:s2] =	dma.local @!p0 [hbm:s0], s1  }
0xa5: {  	s0 =	simm.s32 @!p0 $0x1  }
0xa6: {  	_ =	swait.ge @!p0 [sflag:s0], s1  }
0xa7: {  	s1 =	ssub.s32 @!p0 $0x0, s1;
	[sflag:s0] =	ssyncset.done @!p0 $0x0  }
0xa8: {  	[sflag:s0] =	ssyncadd.s32 @!p0 s1  }
0xa9: {  	[bflag:$0x3] =	sbarrier.arrive $0xFFFF  }
0xaa: {  	_ =	shalt  }

</sc_bundles>
